<compile_context>
chip_gen: v7x
topology: tpu7x:2x2x1
jax: 0.10.2.dev20260603
libtpu: 0.0.44.dev20260713+nightly
codegen_flags: <defaults>
</compile_context>

<pallas_src>
import functools

import jax
import jax.numpy as jnp
from jax import lax
from jax.experimental import pallas as pl
from jax.experimental.pallas import tpu as pltpu
from jax.experimental.pallas import tpu_sc as plsc

_N = 10000
_E = 320000
_D = 128

_NC = 2
_NS = 16
_NW = _NC * _NS
_LANES = 16
_EPW = _E // _NW
_NPAD = 10240
_COLS = _NPAD // _NS

_ROWS = 2000
_NB = _N // _ROWS


def _sc_flags_body(edges_hbm, out_hbm, idx_v, flag_v):
    c = lax.axis_index("c")
    s = lax.axis_index("s")
    wid = s * _NC + c

    pltpu.sync_copy(edges_hbm.at[pl.ds(_E + wid * _EPW, _EPW)], idx_v)

    zeros16 = jnp.zeros((_LANES,), jnp.float32)

    def zero_body(i, carry):
        for u in range(5):
            flag_v[pl.ds((i * 5 + u) * _LANES, _LANES)] = zeros16
        return carry

    lax.fori_loop(0, _NPAD // _LANES // 5, zero_body, 0)

    ones16 = jnp.ones((_LANES,), jnp.float32)

    def scat_body(j, carry):
        for u in range(5):
            idx = idx_v[pl.ds((j * 5 + u) * _LANES, _LANES)]
            plsc.store_scatter(flag_v, [idx], ones16)
        return carry

    lax.fori_loop(0, _EPW // _LANES // 5, scat_body, 0)

    pltpu.sync_copy(flag_v, out_hbm.at[pl.ds(wid * _NPAD, _NPAD)])


@functools.cache
def _sc_flags_kernel():
    return functools.partial(
        pl.kernel,
        out_type=jax.ShapeDtypeStruct((_NW * _NPAD,), jnp.float32),
        mesh=plsc.VectorSubcoreMesh(core_axis_name="c", subcore_axis_name="s",
                                    num_cores=_NC, num_subcores=_NS),
        compiler_params=pltpu.CompilerParams(needs_layout_passes=False),
        scratch_types=[
            pltpu.VMEM((_EPW,), jnp.int32),
            pltpu.VMEM((_NPAD,), jnp.float32),
        ],
    )(_sc_flags_body)


def _tc_body(x_ref, c_ref, wv_ref, wm_ref, g_ref, be_ref, w1_ref, b1_ref,
             w2_ref, b2_ref, o_ref, gate_ref):
    i = pl.program_id(0)

    @pl.when(i == 0)
    def _():
        ones_w = jnp.ones((_NW, 1), jnp.float32)
        tot = lax.dot_general(c_ref[...], ones_w, (((0,), (0,)), ((), ())),
                              preferred_element_type=jnp.float32)
        gate_ref[...] = jnp.where(tot > 0.0, 1.0, 0.0)

    x = x_ref[...]
    fl = gate_ref[pl.ds(i * _ROWS, _ROWS), :]
    cdims = (((1,), (1,)), ((), ()))
    t = lax.dot_general(x, wv_ref[...], cdims, preferred_element_type=jnp.float32)
    u = lax.dot_general(t, wm_ref[...], cdims, preferred_element_type=jnp.float32)
    h = x + fl * u
    mu = jnp.mean(h, axis=1, keepdims=True)
    d = h - mu
    var = jnp.mean(d * d, axis=1, keepdims=True)
    hn = d * lax.rsqrt(var + 1e-5) * g_ref[...] + be_ref[...]
    z = lax.dot_general(hn, w1_ref[...], cdims, preferred_element_type=jnp.float32)
    z = z + b1_ref[...]
    z = z * (1.0 / (1.0 + jnp.exp(-z)))
    o = lax.dot_general(z, w2_ref[...], cdims, preferred_element_type=jnp.float32)
    o = o + b2_ref[...]
    o_ref[...] = o * (1.0 / (1.0 + jnp.exp(-o)))


def kernel(x, edge_index, W_src, W_val, W_merge, gamma, beta, W1, b1, W2, b2):
    del W_src
    if edge_index.dtype != jnp.int32:
        edge_index = edge_index.astype(jnp.int32)
    edges_flat = edge_index.reshape(2 * _E)
    counts = _sc_flags_kernel()(edges_flat)
    cnt2d = counts.reshape(_NW, _NPAD)
    out = pl.pallas_call(
        _tc_body,
        grid=(_NB,),
        in_specs=[
            pl.BlockSpec((_ROWS, _D), lambda i: (i, 0)),
            pl.BlockSpec((_NW, _NPAD), lambda i: (0, 0)),
            pl.BlockSpec((_D, _D), lambda i: (0, 0)),
            pl.BlockSpec((_D, _D), lambda i: (0, 0)),
            pl.BlockSpec((1, _D), lambda i: (0, 0)),
            pl.BlockSpec((1, _D), lambda i: (0, 0)),
            pl.BlockSpec((2 * _D, _D), lambda i: (0, 0)),
            pl.BlockSpec((1, 2 * _D), lambda i: (0, 0)),
            pl.BlockSpec((_D, 2 * _D), lambda i: (0, 0)),
            pl.BlockSpec((1, _D), lambda i: (0, 0)),
        ],
        out_specs=pl.BlockSpec((_ROWS, _D), lambda i: (i, 0)),
        out_shape=jax.ShapeDtypeStruct((_N, _D), jnp.float32),
        scratch_shapes=[pltpu.VMEM((_NPAD, 1), jnp.float32)],
    )(x, cnt2d, W_val, W_merge, gamma.reshape(1, _D), beta.reshape(1, _D),
      W1, b1.reshape(1, 2 * _D), W2, b2.reshape(1, _D))
    return out

# --- scband reference (transcript-rebuilt; emitter-appended) ---
"""Pipeline reference for scband-receptor-encoder-64982855188923 (READ-ONLY COPY).

The authoritative reference and input builder live on the scoring server;
editing this copy changes nothing except your own understanding.
"""

import jax, jax.numpy as jnp
import numpy as np

N = 10000
E = 320000
D = 128
H = 4
DH = D // H  # 32


def setup_inputs(seed: int = 0) -> dict:
    key = jax.random.key(seed)
    ks = jax.random.split(key, 12)
    x = jax.random.normal(ks[0], (N, D), dtype=jnp.float32)
    edge_index = jax.random.randint(ks[1], (2, E), 0, N)
    s = 1.0 / np.sqrt(D)
    W_src = jax.random.normal(ks[2], (D, D), dtype=jnp.float32) * s
    W_val = jax.random.normal(ks[3], (D, D), dtype=jnp.float32) * s
    W_merge = jax.random.normal(ks[4], (D, D), dtype=jnp.float32) * s
    gamma = jnp.ones((D,), dtype=jnp.float32)
    beta = jnp.zeros((D,), dtype=jnp.float32)
    W1 = jax.random.normal(ks[5], (2 * D, D), dtype=jnp.float32) * s
    b1 = jnp.zeros((2 * D,), dtype=jnp.float32)
    W2 = jax.random.normal(ks[6], (D, 2 * D), dtype=jnp.float32) * (1.0 / np.sqrt(2 * D))
    b2 = jnp.zeros((D,), dtype=jnp.float32)
    return {"x": x, "edge_index": edge_index, "W_src": W_src, "W_val": W_val,
            "W_merge": W_merge, "gamma": gamma, "beta": beta,
            "W1": W1, "b1": b1, "W2": W2, "b2": b2}


def reference(x, edge_index, W_src, W_val, W_merge, gamma, beta, W1, b1, W2, b2):
    src = edge_index[0]
    dst = edge_index[1]
    # pre_norm = Identity
    h_src = x
    # NOTE: original module applies fc_src to BOTH src and dst features (fc_dst unused)
    ft = (h_src @ W_src.T).reshape(-1, H, DH)
    val = (x @ W_val.T).reshape(-1, H, DH)
    # edge attention logits: u_dot_v per head
    a = jnp.sum(ft[src] * ft[dst], axis=-1) / jnp.sqrt(float(DH))  # [E, H]
    # edge_softmax normalized by dst (numerically stable, as DGL does)
    a_max = jax.ops.segment_max(a, dst, num_segments=N)
    a_max = jnp.where(jnp.isfinite(a_max), a_max, 0.0)
    ex = jnp.exp(a - a_max[dst])
    denom = jax.ops.segment_sum(ex, dst, num_segments=N)
    sa = ex / (denom[dst] + 1e-9)
    # message: v_mul_e('val','sa') -> dst node's val scaled by edge softmax, summed at dst
    msg = val[dst] * sa[:, :, None]
    h_att = jax.ops.segment_sum(msg, dst, num_segments=N)  # [N, H, DH]
    h_att = h_att.reshape(-1, H * DH) @ W_merge.T
    h = h_src + h_att
    # post_norm = LayerNorm
    mu = jnp.mean(h, axis=-1, keepdims=True)
    var = jnp.mean((h - mu) ** 2, axis=-1, keepdims=True)
    hn = (h - mu) / jnp.sqrt(var + 1e-5) * gamma + beta
    # dense: Linear -> SiLU -> Linear -> SiLU
    z = jax.nn.silu(hn @ W1.T + b1)
    out = jax.nn.silu(z @ W2.T + b2)
    return out

if __name__ == "__main__":
    import jax
    _d = setup_inputs()
    print(jax.jit(kernel)(*tuple(_d.values())))

</pallas_src>

<mosaic_0001>
#map = affine_map<(d0, d1) -> (0)>
module attributes {stable_mosaic.version = 14 : i64} {
  func.func @_sc_flags_body(%arg0: i32, %arg1: i32, %arg2: memref<640000xi32, #tpu.memory_space<hbm>>, %arg3: memref<327680xf32, #tpu.memory_space<hbm>>, %arg4: memref<10000xi32, #tpu.memory_space<vmem>>, %arg5: memref<10240xf32, #tpu.memory_space<vmem>>) attributes {dimension_semantics = [#tpu.dimension_semantics<core_parallel>, #tpu.dimension_semantics<subcore_parallel>], iteration_bounds = array<i64: 2, 16>, scalar_prefetch = 0 : i64, scratch_operands = 2 : i64, tpu.core_type = #tpu.core_type<sc_vector_subcore>, window_params = [{transform_indices = #map}, {transform_indices = #map}]} {
    %mul3A = arith.constant 2 : i32
    %mul3A_0 = arith.muli %arg1, %mul3A : i32
    %add3A = arith.addi %mul3A_0, %arg0 : i32
    %mul3A_1 = arith.constant 10000 : i32
    %mul3A_2 = arith.muli %add3A, %mul3A_1 : i32
    %add3A_3 = arith.constant 320000 : i32
    %add3A_4 = arith.addi %add3A_3, %mul3A_2 : i32
    "tpu.region"() ({
      %run_scoped3A = tpu.sem_alloc : memref<!tpu.dma_semaphore, #tpu.memory_space<semaphore_mem>>
      %dma_start3A = tpu.memref_slice %arg2[%add3A_4] : memref<640000xi32, #tpu.memory_space<hbm>> -> memref<10000xi32, #tpu.memory_space<hbm>>
      %dma_start3A_21 = tpu.memref_slice %arg2[%add3A_4] : memref<640000xi32, #tpu.memory_space<hbm>> -> memref<10000xi32, #tpu.memory_space<hbm>>
      tpu.enqueue_dma source(%dma_start3A_21 : memref<10000xi32, #tpu.memory_space<hbm>>) target(%arg4 : memref<10000xi32, #tpu.memory_space<vmem>>) target_semaphore(%run_scoped3A : memref<!tpu.dma_semaphore, #tpu.memory_space<semaphore_mem>>)
      %dma_wait3A = tpu.memref_slice %arg2[%add3A_4] : memref<640000xi32, #tpu.memory_space<hbm>> -> memref<10000xi32, #tpu.memory_space<hbm>>
      %dma_wait3A_22 = tpu.memref_slice %arg2[%add3A_4] : memref<640000xi32, #tpu.memory_space<hbm>> -> memref<10000xi32, #tpu.memory_space<hbm>>
      tpu.wait_dma2 semaphore(%run_scoped3A : memref<!tpu.dma_semaphore, #tpu.memory_space<semaphore_mem>>) src(%dma_wait3A_22 : memref<10000xi32, #tpu.memory_space<hbm>>) dst(%arg4 : memref<10000xi32, #tpu.memory_space<vmem>>)
      tpu.yield
    }) : () -> ()
    %broadcast_in_dim3A = arith.constant 0.000000e+00 : f32
    %broadcast_in_dim3A_5 = vector.broadcast %broadcast_in_dim3A : f32 to vector<16xf32>
    %scan3A = arith.constant 0 : i32
    %scan3A_6 = arith.constant 0 : i32
    %scan3A_7 = arith.constant 128 : i32
    %scan3A_8 = arith.addi %scan3A_6, %scan3A_7 : i32
    %scan3A_9 = arith.constant 1 : i32
    scf.for %scan3A_21 = %scan3A_6 to %scan3A_8 step %scan3A_9  : i32 {
      %mul3A_22 = arith.constant 5 : i32
      %mul3A_23 = arith.muli %scan3A_21, %mul3A_22 : i32
      %add3A_24 = arith.constant 0 : i32
      %add3A_25 = arith.addi %mul3A_23, %add3A_24 : i32
      %mul3A_26 = arith.constant 16 : i32
      %mul3A_27 = arith.muli %add3A_25, %mul3A_26 : i32
      %swap3A = arith.index_cast %mul3A_27 : i32 to index
      %swap3A_28 = tpu.vector_load %arg5[%swap3A] {strides = array<i32>} : memref<10240xf32, #tpu.memory_space<vmem>>, vector<16xf32>,
      tpu.vector_store %arg5[%swap3A], %broadcast_in_dim3A_5 {strides = array<i32>} : memref<10240xf32, #tpu.memory_space<vmem>>, vector<16xf32>,
      %mul3A_29 = arith.constant 5 : i32
      %mul3A_30 = arith.muli %scan3A_21, %mul3A_29 : i32
      %add3A_31 = arith.constant 1 : i32
      %add3A_32 = arith.addi %mul3A_30, %add3A_31 : i32
      %mul3A_33 = arith.constant 16 : i32
      %mul3A_34 = arith.muli %add3A_32, %mul3A_33 : i32
      %swap3A_35 = arith.index_cast %mul3A_34 : i32 to index
      %swap3A_36 = tpu.vector_load %arg5[%swap3A_35] {strides = array<i32>} : memref<10240xf32, #tpu.memory_space<vmem>>, vector<16xf32>,
      tpu.vector_store %arg5[%swap3A_35], %broadcast_in_dim3A_5 {strides = array<i32>} : memref<10240xf32, #tpu.memory_space<vmem>>, vector<16xf32>,
      %mul3A_37 = arith.constant 5 : i32
      %mul3A_38 = arith.muli %scan3A_21, %mul3A_37 : i32
      %add3A_39 = arith.constant 2 : i32
      %add3A_40 = arith.addi %mul3A_38, %add3A_39 : i32
      %mul3A_41 = arith.constant 16 : i32
      %mul3A_42 = arith.muli %add3A_40, %mul3A_41 : i32
      %swap3A_43 = arith.index_cast %mul3A_42 : i32 to index
      %swap3A_44 = tpu.vector_load %arg5[%swap3A_43] {strides = array<i32>} : memref<10240xf32, #tpu.memory_space<vmem>>, vector<16xf32>,
      tpu.vector_store %arg5[%swap3A_43], %broadcast_in_dim3A_5 {strides = array<i32>} : memref<10240xf32, #tpu.memory_space<vmem>>, vector<16xf32>,
      %mul3A_45 = arith.constant 5 : i32
      %mul3A_46 = arith.muli %scan3A_21, %mul3A_45 : i32
      %add3A_47 = arith.constant 3 : i32
      %add3A_48 = arith.addi %mul3A_46, %add3A_47 : i32
      %mul3A_49 = arith.constant 16 : i32
      %mul3A_50 = arith.muli %add3A_48, %mul3A_49 : i32
      %swap3A_51 = arith.index_cast %mul3A_50 : i32 to index
      %swap3A_52 = tpu.vector_load %arg5[%swap3A_51] {strides = array<i32>} : memref<10240xf32, #tpu.memory_space<vmem>>, vector<16xf32>,
      tpu.vector_store %arg5[%swap3A_51], %broadcast_in_dim3A_5 {strides = array<i32>} : memref<10240xf32, #tpu.memory_space<vmem>>, vector<16xf32>,
      %mul3A_53 = arith.constant 5 : i32
      %mul3A_54 = arith.muli %scan3A_21, %mul3A_53 : i32
      %add3A_55 = arith.constant 4 : i32
      %add3A_56 = arith.addi %mul3A_54, %add3A_55 : i32
      %mul3A_57 = arith.constant 16 : i32
      %mul3A_58 = arith.muli %add3A_56, %mul3A_57 : i32
      %swap3A_59 = arith.index_cast %mul3A_58 : i32 to index
      %swap3A_60 = tpu.vector_load %arg5[%swap3A_59] {strides = array<i32>} : memref<10240xf32, #tpu.memory_space<vmem>>, vector<16xf32>,
      tpu.vector_store %arg5[%swap3A_59], %broadcast_in_dim3A_5 {strides = array<i32>} : memref<10240xf32, #tpu.memory_space<vmem>>, vector<16xf32>,
    }
    %scan3A_10 = arith.constant 128 : i32
    %broadcast_in_dim3A_11 = arith.constant 1.000000e+00 : f32
    %broadcast_in_dim3A_12 = vector.broadcast %broadcast_in_dim3A_11 : f32 to vector<16xf32>
    %scan3A_13 = arith.constant 0 : i32
    %scan3A_14 = arith.constant 0 : i32
    %scan3A_15 = arith.constant 125 : i32
    %scan3A_16 = arith.addi %scan3A_14, %scan3A_15 : i32
    %scan3A_17 = arith.constant 1 : i32
    scf.for %scan3A_21 = %scan3A_14 to %scan3A_16 step %scan3A_17  : i32 {
      %mul3A_22 = arith.constant 5 : i32
      %mul3A_23 = arith.muli %scan3A_21, %mul3A_22 : i32
      %add3A_24 = arith.constant 0 : i32
      %add3A_25 = arith.addi %mul3A_23, %add3A_24 : i32
      %mul3A_26 = arith.constant 16 : i32
      %mul3A_27 = arith.muli %add3A_25, %mul3A_26 : i32
      %get3A = arith.index_cast %mul3A_27 : i32 to index
      %get3A_28 = tpu.vector_load %arg4[%get3A] {strides = array<i32>} : memref<10000xi32, #tpu.memory_space<vmem>>, vector<16xi32>,
      tpu.vector_store_idx %arg5[%get3A_28], %broadcast_in_dim3A_12 : memref<10240xf32, #tpu.memory_space<vmem>>[vector<16xi32>], vector<16xf32>,
      %mul3A_29 = arith.constant 5 : i32
      %mul3A_30 = arith.muli %scan3A_21, %mul3A_29 : i32
      %add3A_31 = arith.constant 1 : i32
      %add3A_32 = arith.addi %mul3A_30, %add3A_31 : i32
      %mul3A_33 = arith.constant 16 : i32
      %mul3A_34 = arith.muli %add3A_32, %mul3A_33 : i32
      %get3A_35 = arith.index_cast %mul3A_34 : i32 to index
      %get3A_36 = tpu.vector_load %arg4[%get3A_35] {strides = array<i32>} : memref<10000xi32, #tpu.memory_space<vmem>>, vector<16xi32>,
      tpu.vector_store_idx %arg5[%get3A_36], %broadcast_in_dim3A_12 : memref<10240xf32, #tpu.memory_space<vmem>>[vector<16xi32>], vector<16xf32>,
      %mul3A_37 = arith.constant 5 : i32
      %mul3A_38 = arith.muli %scan3A_21, %mul3A_37 : i32
      %add3A_39 = arith.constant 2 : i32
      %add3A_40 = arith.addi %mul3A_38, %add3A_39 : i32
      %mul3A_41 = arith.constant 16 : i32
      %mul3A_42 = arith.muli %add3A_40, %mul3A_41 : i32
      %get3A_43 = arith.index_cast %mul3A_42 : i32 to index
      %get3A_44 = tpu.vector_load %arg4[%get3A_43] {strides = array<i32>} : memref<10000xi32, #tpu.memory_space<vmem>>, vector<16xi32>,
      tpu.vector_store_idx %arg5[%get3A_44], %broadcast_in_dim3A_12 : memref<10240xf32, #tpu.memory_space<vmem>>[vector<16xi32>], vector<16xf32>,
      %mul3A_45 = arith.constant 5 : i32
      %mul3A_46 = arith.muli %scan3A_21, %mul3A_45 : i32
      %add3A_47 = arith.constant 3 : i32
      %add3A_48 = arith.addi %mul3A_46, %add3A_47 : i32
      %mul3A_49 = arith.constant 16 : i32
      %mul3A_50 = arith.muli %add3A_48, %mul3A_49 : i32
      %get3A_51 = arith.index_cast %mul3A_50 : i32 to index
      %get3A_52 = tpu.vector_load %arg4[%get3A_51] {strides = array<i32>} : memref<10000xi32, #tpu.memory_space<vmem>>, vector<16xi32>,
      tpu.vector_store_idx %arg5[%get3A_52], %broadcast_in_dim3A_12 : memref<10240xf32, #tpu.memory_space<vmem>>[vector<16xi32>], vector<16xf32>,
      %mul3A_53 = arith.constant 5 : i32
      %mul3A_54 = arith.muli %scan3A_21, %mul3A_53 : i32
      %add3A_55 = arith.constant 4 : i32
      %add3A_56 = arith.addi %mul3A_54, %add3A_55 : i32
      %mul3A_57 = arith.constant 16 : i32
      %mul3A_58 = arith.muli %add3A_56, %mul3A_57 : i32
      %get3A_59 = arith.index_cast %mul3A_58 : i32 to index
      %get3A_60 = tpu.vector_load %arg4[%get3A_59] {strides = array<i32>} : memref<10000xi32, #tpu.memory_space<vmem>>, vector<16xi32>,
      tpu.vector_store_idx %arg5[%get3A_60], %broadcast_in_dim3A_12 : memref<10240xf32, #tpu.memory_space<vmem>>[vector<16xi32>], vector<16xf32>,
    }
    %scan3A_18 = arith.constant 125 : i32
    %mul3A_19 = arith.constant 10240 : i32
    %mul3A_20 = arith.muli %add3A, %mul3A_19 : i32
    "tpu.region"() ({
      %run_scoped3A = tpu.sem_alloc : memref<!tpu.dma_semaphore, #tpu.memory_space<semaphore_mem>>
      %dma_start3A = tpu.memref_slice %arg3[%mul3A_20] : memref<327680xf32, #tpu.memory_space<hbm>> -> memref<10240xf32, #tpu.memory_space<hbm>>
      %dma_start3A_21 = tpu.memref_slice %arg3[%mul3A_20] : memref<327680xf32, #tpu.memory_space<hbm>> -> memref<10240xf32, #tpu.memory_space<hbm>>
      tpu.enqueue_dma source(%arg5 : memref<10240xf32, #tpu.memory_space<vmem>>) target(%dma_start3A_21 : memref<10240xf32, #tpu.memory_space<hbm>>) target_semaphore(%run_scoped3A : memref<!tpu.dma_semaphore, #tpu.memory_space<semaphore_mem>>)
      %dma_wait3A = tpu.memref_slice %arg3[%mul3A_20] : memref<327680xf32, #tpu.memory_space<hbm>> -> memref<10240xf32, #tpu.memory_space<hbm>>
      %dma_wait3A_22 = tpu.memref_slice %arg3[%mul3A_20] : memref<327680xf32, #tpu.memory_space<hbm>> -> memref<10240xf32, #tpu.memory_space<hbm>>
      tpu.wait_dma2 semaphore(%run_scoped3A : memref<!tpu.dma_semaphore, #tpu.memory_space<semaphore_mem>>) src(%arg5 : memref<10240xf32, #tpu.memory_space<vmem>>) dst(%dma_wait3A_22 : memref<10240xf32, #tpu.memory_space<hbm>>)
      tpu.yield
    }) : () -> ()
    return
  }
}

module attributes {stable_mosaic.version = 14 : i64} {
  func.func @_tc_body(%arg0: i32, %arg1: memref<2000x128xf32, #tpu.memory_space<vmem>>, %arg2: memref<32x10240xf32, #tpu.memory_space<vmem>>, %arg3: memref<128x128xf32, #tpu.memory_space<vmem>>, %arg4: memref<128x128xf32, #tpu.memory_space<vmem>>, %arg5: memref<1x128xf32, #tpu.memory_space<vmem>>, %arg6: memref<1x128xf32, #tpu.memory_space<vmem>>, %arg7: memref<256x128xf32, #tpu.memory_space<vmem>>, %arg8: memref<1x256xf32, #tpu.memory_space<vmem>>, %arg9: memref<128x256xf32, #tpu.memory_space<vmem>>, %arg10: memref<1x128xf32, #tpu.memory_space<vmem>>, %arg11: memref<2000x128xf32, #tpu.memory_space<vmem>>, %arg12: memref<10240x1xf32, #tpu.memory_space<vmem>>) attributes {dimension_semantics = [#tpu.dimension_semantics<arbitrary>], iteration_bounds = array<i64: 5>, scalar_prefetch = 0 : i64, scratch_operands = 1 : i64, tpu.core_type = #tpu.core_type<tc>, window_params = [{transform_indices = @transform_0, window_bounds = array<i64: 2000, 128>}, {pipeline_mode = #tpu.pipeline_mode<synchronous>, transform_indices = @transform_1, window_bounds = array<i64: 32, 10240>}, {pipeline_mode = #tpu.pipeline_mode<synchronous>, transform_indices = @transform_2, window_bounds = array<i64: 128, 128>}, {pipeline_mode = #tpu.pipeline_mode<synchronous>, transform_indices = @transform_3, window_bounds = array<i64: 128, 128>}, {pipeline_mode = #tpu.pipeline_mode<synchronous>, transform_indices = @transform_4, window_bounds = array<i64: 1, 128>}, {pipeline_mode = #tpu.pipeline_mode<synchronous>, transform_indices = @transform_5, window_bounds = array<i64: 1, 128>}, {pipeline_mode = #tpu.pipeline_mode<synchronous>, transform_indices = @transform_6, window_bounds = array<i64: 256, 128>}, {pipeline_mode = #tpu.pipeline_mode<synchronous>, transform_indices = @transform_7, window_bounds = array<i64: 1, 256>}, {pipeline_mode = #tpu.pipeline_mode<synchronous>, transform_indices = @transform_8, window_bounds = array<i64: 128, 256>}, {pipeline_mode = #tpu.pipeline_mode<synchronous>, transform_indices = @transform_9, window_bounds = array<i64: 1, 128>}, {transform_indices = @transform_10, window_bounds = array<i64: 2000, 128>}]} {
    %eq3A = arith.constant 0 : i32
    %eq3A_0 = arith.cmpi eq, %arg0, %eq3A : i32
    %convert_element_type3A = arith.extui %eq3A_0 : i1 to i32
    %cond3A = arith.constant 0 : i32
    %cond3A_1 = arith.cmpi ne, %convert_element_type3A, %cond3A : i32
    scf.if %cond3A_1 {
      %broadcast_in_dim3A_87 = arith.constant 1.000000e+00 : f32
      %broadcast_in_dim3A_88 = vector.broadcast %broadcast_in_dim3A_87 : f32 to vector<32x1xf32>
      %get3A_89 = arith.constant 0 : index
      %get3A_90 = arith.constant 0 : index
      %get3A_91 = vector.load %arg2[%get3A_89, %get3A_90] : memref<32x10240xf32, #tpu.memory_space<vmem>>, vector<32x10240xf32>
      %dot_general3A_92 = arith.constant dense<0.000000e+00> : vector<10240x1xf32>
      %dot_general3A_93 = tpu.matmul %get3A_91, %broadcast_in_dim3A_88, %dot_general3A_92 {dimension_numbers = #tpu.dot_dimension_numbers<[0], [0], [1], [1], [0, 1, 1, 1], [], []>, transpose_lhs_hint = false} : vector<32x10240xf32>, vector<32x1xf32>, vector<10240x1xf32> -> vector<10240x1xf32>
      %gt3A = arith.constant 0.000000e+00 : f32
      %gt3A_94 = vector.broadcast %gt3A : f32 to vector<10240x1xf32>
      %gt3A_95 = arith.cmpf ogt, %dot_general3A_93, %gt3A_94 : vector<10240x1xf32>
      %jit3A = arith.constant 1.000000e+00 : f32
      %jit3A_96 = arith.constant 0.000000e+00 : f32
      %broadcast_in_dim3A_97 = vector.broadcast %jit3A : f32 to vector<10240x1xf32>
      %broadcast_in_dim3A_98 = vector.broadcast %jit3A_96 : f32 to vector<10240x1xf32>
      %select_n3A = arith.select %gt3A_95, %broadcast_in_dim3A_97, %broadcast_in_dim3A_98 : vector<10240x1xi1>, vector<10240x1xf32>
      %swap3A_99 = arith.constant 0 : index
      %swap3A_100 = arith.constant 0 : index
      %swap3A_101 = vector.load %arg12[%swap3A_99, %swap3A_100] : memref<10240x1xf32, #tpu.memory_space<vmem>>, vector<10240x1xf32>
      tpu.vector_store %arg12[%swap3A_99, %swap3A_100], %select_n3A {strides = array<i32>} : memref<10240x1xf32, #tpu.memory_space<vmem>>, vector<10240x1xf32>,
    } else {
    }
    %get3A = arith.constant 0 : index
    %get3A_2 = arith.constant 0 : index
    %get3A_3 = vector.load %arg1[%get3A, %get3A_2] : memref<2000x128xf32, #tpu.memory_space<vmem>>, vector<2000x128xf32>
    %mul3A = arith.constant 2000 : i32
    %mul3A_4 = arith.muli %arg0, %mul3A : i32
    %get3A_5 = arith.index_cast %mul3A_4 : i32 to index
    %get3A_6 = arith.constant 0 : index
    %get3A_7 = vector.load %arg12[%get3A_5, %get3A_6] : memref<10240x1xf32, #tpu.memory_space<vmem>>, vector<2000x1xf32>
    %get3A_8 = arith.constant 0 : index
    %get3A_9 = arith.constant 0 : index
    %get3A_10 = vector.load %arg3[%get3A_8, %get3A_9] : memref<128x128xf32, #tpu.memory_space<vmem>>, vector<128x128xf32>
    %dot_general3A = arith.constant dense<0.000000e+00> : vector<2000x128xf32>
    %dot_general3A_11 = tpu.matmul %get3A_3, %get3A_10, %dot_general3A {dimension_numbers = #tpu.dot_dimension_numbers<[1], [1], [0], [0], [0, 0, 1, 0], [], []>, transpose_lhs_hint = false} : vector<2000x128xf32>, vector<128x128xf32>, vector<2000x128xf32> -> vector<2000x128xf32>
    %get3A_12 = arith.constant 0 : index
    %get3A_13 = arith.constant 0 : index
    %get3A_14 = vector.load %arg4[%get3A_12, %get3A_13] : memref<128x128xf32, #tpu.memory_space<vmem>>, vector<128x128xf32>
    %dot_general3A_15 = arith.constant dense<0.000000e+00> : vector<2000x128xf32>
    %dot_general3A_16 = tpu.matmul %dot_general3A_11, %get3A_14, %dot_general3A_15 {dimension_numbers = #tpu.dot_dimension_numbers<[1], [1], [0], [0], [0, 0, 1, 0], [], []>, transpose_lhs_hint = false} : vector<2000x128xf32>, vector<128x128xf32>, vector<2000x128xf32> -> vector<2000x128xf32>
    %mul3A_17 = vector.broadcast %get3A_7 : vector<2000x1xf32> to vector<2000x128xf32>
    %mul3A_18 = arith.mulf %mul3A_17, %dot_general3A_16 : vector<2000x128xf32>
    %add3A = arith.addf %get3A_3, %mul3A_18 : vector<2000x128xf32>
    %reduce_sum3A = arith.constant dense<0.000000e+00> : vector<2000xf32>
    %reduce_sum3A_19 = vector.multi_reduction <add>, %add3A, %reduce_sum3A [1] : vector<2000x128xf32> to vector<2000xf32>
    %broadcast_in_dim3A = vector.shape_cast %reduce_sum3A_19 : vector<2000xf32> to vector<2000x1xf32>
    %div3A = arith.constant 1.280000e+02 : f32
    %div3A_20 = vector.broadcast %div3A : f32 to vector<2000x1xf32>
    %div3A_21 = arith.divf %broadcast_in_dim3A, %div3A_20 : vector<2000x1xf32>
    %sub3A = vector.broadcast %div3A_21 : vector<2000x1xf32> to vector<2000x128xf32>
    %sub3A_22 = arith.subf %add3A, %sub3A : vector<2000x128xf32>
    %mul3A_23 = arith.mulf %sub3A_22, %sub3A_22 : vector<2000x128xf32>
    %reduce_sum3A_24 = arith.constant dense<0.000000e+00> : vector<2000xf32>
    %reduce_sum3A_25 = vector.multi_reduction <add>, %mul3A_23, %reduce_sum3A_24 [1] : vector<2000x128xf32> to vector<2000xf32>
    %broadcast_in_dim3A_26 = vector.shape_cast %reduce_sum3A_25 : vector<2000xf32> to vector<2000x1xf32>
    %div3A_27 = arith.constant 1.280000e+02 : f32
    %div3A_28 = vector.broadcast %div3A_27 : f32 to vector<2000x1xf32>
    %div3A_29 = arith.divf %broadcast_in_dim3A_26, %div3A_28 : vector<2000x1xf32>
    %add3A_30 = arith.constant 9.99999974E-6 : f32
    %add3A_31 = vector.broadcast %add3A_30 : f32 to vector<2000x1xf32>
    %add3A_32 = arith.addf %div3A_29, %add3A_31 : vector<2000x1xf32>
    %rsqrt3A = math.rsqrt %add3A_32 : vector<2000x1xf32>
    %mul3A_33 = vector.broadcast %rsqrt3A : vector<2000x1xf32> to vector<2000x128xf32>
    %mul3A_34 = arith.mulf %sub3A_22, %mul3A_33 : vector<2000x128xf32>
    %get3A_35 = arith.constant 0 : index
    %get3A_36 = arith.constant 0 : index
    %get3A_37 = vector.load %arg5[%get3A_35, %get3A_36] : memref<1x128xf32, #tpu.memory_space<vmem>>, vector<1x128xf32>
    %mul3A_38 = vector.broadcast %get3A_37 : vector<1x128xf32> to vector<2000x128xf32>
    %mul3A_39 = arith.mulf %mul3A_34, %mul3A_38 : vector<2000x128xf32>
    %get3A_40 = arith.constant 0 : index
    %get3A_41 = arith.constant 0 : index
    %get3A_42 = vector.load %arg6[%get3A_40, %get3A_41] : memref<1x128xf32, #tpu.memory_space<vmem>>, vector<1x128xf32>
    %add3A_43 = vector.broadcast %get3A_42 : vector<1x128xf32> to vector<2000x128xf32>
    %add3A_44 = arith.addf %mul3A_39, %add3A_43 : vector<2000x128xf32>
    %get3A_45 = arith.constant 0 : index
    %get3A_46 = arith.constant 0 : index
    %get3A_47 = vector.load %arg7[%get3A_45, %get3A_46] : memref<256x128xf32, #tpu.memory_space<vmem>>, vector<256x128xf32>
    %dot_general3A_48 = arith.constant dense<0.000000e+00> : vector<2000x256xf32>
    %dot_general3A_49 = tpu.matmul %add3A_44, %get3A_47, %dot_general3A_48 {dimension_numbers = #tpu.dot_dimension_numbers<[1], [1], [0], [0], [0, 0, 1, 0], [], []>, transpose_lhs_hint = false} : vector<2000x128xf32>, vector<256x128xf32>, vector<2000x256xf32> -> vector<2000x256xf32>
    %get3A_50 = arith.constant 0 : index
    %get3A_51 = arith.constant 0 : index
    %get3A_52 = vector.load %arg8[%get3A_50, %get3A_51] : memref<1x256xf32, #tpu.memory_space<vmem>>, vector<1x256xf32>
    %add3A_53 = vector.broadcast %get3A_52 : vector<1x256xf32> to vector<2000x256xf32>
    %add3A_54 = arith.addf %dot_general3A_49, %add3A_53 : vector<2000x256xf32>
    %neg3A = arith.constant 0.000000e+00 : f32
    %neg3A_55 = vector.broadcast %neg3A : f32 to vector<2000x256xf32>
    %neg3A_56 = arith.subf %neg3A_55, %add3A_54 : vector<2000x256xf32>
    %exp3A = math.exp %neg3A_56 : vector<2000x256xf32>
    %add3A_57 = arith.constant 1.000000e+00 : f32
    %add3A_58 = vector.broadcast %add3A_57 : f32 to vector<2000x256xf32>
    %add3A_59 = arith.addf %add3A_58, %exp3A : vector<2000x256xf32>
    %div3A_60 = arith.constant 1.000000e+00 : f32
    %div3A_61 = vector.broadcast %div3A_60 : f32 to vector<2000x256xf32>
    %div3A_62 = arith.divf %div3A_61, %add3A_59 : vector<2000x256xf32>
    %mul3A_63 = arith.mulf %add3A_54, %div3A_62 : vector<2000x256xf32>
    %get3A_64 = arith.constant 0 : index
    %get3A_65 = arith.constant 0 : index
    %get3A_66 = vector.load %arg9[%get3A_64, %get3A_65] : memref<128x256xf32, #tpu.memory_space<vmem>>, vector<128x256xf32>
    %dot_general3A_67 = arith.constant dense<0.000000e+00> : vector<2000x128xf32>
    %dot_general3A_68 = tpu.matmul %mul3A_63, %get3A_66, %dot_general3A_67 {dimension_numbers = #tpu.dot_dimension_numbers<[1], [1], [0], [0], [0, 0, 1, 0], [], []>, transpose_lhs_hint = false} : vector<2000x256xf32>, vector<128x256xf32>, vector<2000x128xf32> -> vector<2000x128xf32>
    %get3A_69 = arith.constant 0 : index
    %get3A_70 = arith.constant 0 : index
    %get3A_71 = vector.load %arg10[%get3A_69, %get3A_70] : memref<1x128xf32, #tpu.memory_space<vmem>>, vector<1x128xf32>
    %add3A_72 = vector.broadcast %get3A_71 : vector<1x128xf32> to vector<2000x128xf32>
    %add3A_73 = arith.addf %dot_general3A_68, %add3A_72 : vector<2000x128xf32>
    %neg3A_74 = arith.constant 0.000000e+00 : f32
    %neg3A_75 = vector.broadcast %neg3A_74 : f32 to vector<2000x128xf32>
    %neg3A_76 = arith.subf %neg3A_75, %add3A_73 : vector<2000x128xf32>
    %exp3A_77 = math.exp %neg3A_76 : vector<2000x128xf32>
    %add3A_78 = arith.constant 1.000000e+00 : f32
    %add3A_79 = vector.broadcast %add3A_78 : f32 to vector<2000x128xf32>
    %add3A_80 = arith.addf %add3A_79, %exp3A_77 : vector<2000x128xf32>
    %div3A_81 = arith.constant 1.000000e+00 : f32
    %div3A_82 = vector.broadcast %div3A_81 : f32 to vector<2000x128xf32>
    %div3A_83 = arith.divf %div3A_82, %add3A_80 : vector<2000x128xf32>
    %mul3A_84 = arith.mulf %add3A_73, %div3A_83 : vector<2000x128xf32>
    %swap3A = arith.constant 0 : index
    %swap3A_85 = arith.constant 0 : index
    %swap3A_86 = vector.load %arg11[%swap3A, %swap3A_85] : memref<2000x128xf32, #tpu.memory_space<vmem>>, vector<2000x128xf32>
    tpu.vector_store %arg11[%swap3A, %swap3A_85], %mul3A_84 {strides = array<i32>} : memref<2000x128xf32, #tpu.memory_space<vmem>>, vector<2000x128xf32>,
    return
  }
  func.func @transform_0(%arg0: i32) -> (i32, i32) {
    %c0_i32 = arith.constant 0 : i32
    %c0_i32_0 = arith.constant 0 : i32
    return %arg0, %c0_i32 : i32, i32
  }
  func.func @transform_1(%arg0: i32) -> (i32, i32) {
    %c0_i32 = arith.constant 0 : i32
    %c0_i32_0 = arith.constant 0 : i32
    %c0_i32_1 = arith.constant 0 : i32
    return %c0_i32, %c0_i32_0 : i32, i32
  }
  func.func @transform_2(%arg0: i32) -> (i32, i32) {
    %c0_i32 = arith.constant 0 : i32
    %c0_i32_0 = arith.constant 0 : i32
    %c0_i32_1 = arith.constant 0 : i32
    return %c0_i32, %c0_i32_0 : i32, i32
  }
  func.func @transform_3(%arg0: i32) -> (i32, i32) {
    %c0_i32 = arith.constant 0 : i32
    %c0_i32_0 = arith.constant 0 : i32
    %c0_i32_1 = arith.constant 0 : i32
    return %c0_i32, %c0_i32_0 : i32, i32
  }
  func.func @transform_4(%arg0: i32) -> (i32, i32) {
    %c0_i32 = arith.constant 0 : i32
    %c0_i32_0 = arith.constant 0 : i32
    %c0_i32_1 = arith.constant 0 : i32
    return %c0_i32, %c0_i32_0 : i32, i32
  }
  func.func @transform_5(%arg0: i32) -> (i32, i32) {
    %c0_i32 = arith.constant 0 : i32
    %c0_i32_0 = arith.constant 0 : i32
    %c0_i32_1 = arith.constant 0 : i32
    return %c0_i32, %c0_i32_0 : i32, i32
  }
  func.func @transform_6(%arg0: i32) -> (i32, i32) {
    %c0_i32 = arith.constant 0 : i32
    %c0_i32_0 = arith.constant 0 : i32
    %c0_i32_1 = arith.constant 0 : i32
    return %c0_i32, %c0_i32_0 : i32, i32
  }
  func.func @transform_7(%arg0: i32) -> (i32, i32) {
    %c0_i32 = arith.constant 0 : i32
    %c0_i32_0 = arith.constant 0 : i32
    %c0_i32_1 = arith.constant 0 : i32
    return %c0_i32, %c0_i32_0 : i32, i32
  }
  func.func @transform_8(%arg0: i32) -> (i32, i32) {
    %c0_i32 = arith.constant 0 : i32
    %c0_i32_0 = arith.constant 0 : i32
    %c0_i32_1 = arith.constant 0 : i32
    return %c0_i32, %c0_i32_0 : i32, i32
  }
  func.func @transform_9(%arg0: i32) -> (i32, i32) {
    %c0_i32 = arith.constant 0 : i32
    %c0_i32_0 = arith.constant 0 : i32
    %c0_i32_1 = arith.constant 0 : i32
    return %c0_i32, %c0_i32_0 : i32, i32
  }
  func.func @transform_10(%arg0: i32) -> (i32, i32) {
    %c0_i32 = arith.constant 0 : i32
    %c0_i32_0 = arith.constant 0 : i32
    return %arg0, %c0_i32 : i32, i32
  }
}

</mosaic_0001>

<sc_bundles>
// kernel: kernel.4.cloned.1.call-start
scs
__scs_entry_jumppad:
0x0: {  	(pc) =	sbr.rel $0x88, $3  }
0x1: {  	(tag) =	ssettag $0x0;
	lr =	simm.s32 $0x1  }
0x2: {  	[smem:$0x3F97] =	sst lr;
	_ =	strace $0xD0000000  }
0x3: {  	_ = 	snop  }
0x4: {  	_ = 	snop  }
0x5: {  	_ = 	snop  }
0x6: {  	_ = 	snop  }
0x7: {  	_ = 	snop  }
__scs_overlays_trampoline_lowered:
0x8: {  	[smem:$0x3FA6] =	sst s0  }
0x9: {  	[smem:$0x3FA7] =	sst s1  }
0xa: {  	[smem:$0x3FA8] =	sst s2  }
0xb: {  	[smem:$0x3FA9] =	sst s3  }
0xc: {  	[smem:$0x3FAA] =	sst s4  }
0xd: {  	[smem:$0x3FAB] =	sst s5  }
0xe: {  	[smem:$0x3FAC] =	sst s6  }
0xf: {  	[smem:$0x3FAD] =	sst s7  }
0x10: {  	[smem:$0x3FAE] =	sst s8  }
0x11: {  	[smem:$0x3FAF] =	sst s9;
	s0 =	simm.s32 @!p0 $0x0  }
0x12: {  	s1 =	sld [smem:$0x3F95];
	s0 =	simm.s32 @p0 $0x1  }
0x13: {  	[smem:$0x3FB0] =	sst s0;
	s0 =	simm.s32 @!p1 $0x0  }
0x14: {  	s2 =	sld [smem:$0x3F94];
	s0 =	simm.s32 @p1 $0x1  }
0x15: {  	[smem:$0x3FB1] =	sst s0;
	s0 =	simm.s32 @!p2 $0x0  }
0x16: {  	s3 =	sld [smem:$0x3FDB];
	s0 =	simm.s32 @p2 $0x1  }
0x17: {  	s4 =	simm.s32 $0x1BF5;
	[smem:$0x3FB3] =	sst s0  }
0x18: {  	s0 =	sld [smem:$0x3F96];
	_ =	swait.ge [sflag:s4], $0x0  }
0x19: {  	s7 =	sld [smem:$0x3F97]  }
0x1a: {  	s8 =	sadd.s32 $0xFFFFE003, lr  }
0x1b: {  	s9 =	sadd.s32 $0xFFFFFEF7, lr;
	s5 =	simm.s32 $0xFFFFFFFF;
	p2 =	slt.u32 s8, $0xFFFFF086  }
0x1c: {  	p1 =	slt.u32 s9, $0xF7A;
	s5 =	simm.s32 @!p2 $0x0  }
0x1d: {  	s5 =	simm.s32 @p1 $0x1;
	p0 =	seq.s32 s7, s2  }
0x1e: {  	s7 =	smul.u32 @!p0 $0xF7A, s2;
	p2 =	seq.s32 @!p0 s5, $0x0  }
0x1f: {  	s9 =	smul.u32 $0xF7A, s1;
	s8 =	simm.s32 @!p0 $0x1BF5;
	p2 =	por !p2, p0  }
0x20: {  	[sflag:s8] =	ssyncset.s32 @!p0 $0xFFFFF086;
	s6 =	sadd.s32 @!p0 s3, s7;
	s7 =	simm.s32 @!p0 $0x108  }
0x21: {  	s3 =	sadd.s32 s3, s9;
	s6 =	sadd.s32 @!p0 $0x88, s6;
	s7 =	simm.s32 @p2 $0x1082  }
0x22: {  	[simem:s7], [sflag:s8] =	dma.local @!p0 [hbm:s6], $0xF7A  }
0x23: {  	s9 =	sor.u32 $0xD0000000, s2;
	s6 =	simm.s32 $0x108;
	_ =	swait.ge @!p0 [sflag:s8], $0x0  }
0x24: {  	s3 =	sadd.s32 $0x88, s3;
	s6 =	simm.s32 @!p1 $0x1082;
	[sflag:s4] =	ssyncset.s32 $0xFFFFF086  }
0x25: {  	[simem:s6], [sflag:s4] =	dma.local [hbm:s3], $0xF7A  }
0x26: {  	[smem:$0x3F97] =	sst s1;
	(tag) =	ssettag s2;
	_ =	strace s9  }
0x27: {  	s1 =	sld [smem:$0x3FA7]  }
0x28: {  	s2 =	sld [smem:$0x3FA8]  }
0x29: {  	s4 =	sld [smem:$0x3FAA]  }
0x2a: {  	p0 =	seq.s32 s5, $0x0;
	s5 =	sld [smem:$0x3FAB]  }
0x2b: {  	s6 =	sld [smem:$0x3FAC]  }
0x2c: {  	s7 =	sld [smem:$0x3FAD]  }
0x2d: {  	s3 =	simm.s32 $0x108;
	s8 =	sld [smem:$0x3FAE]  }
0x2e: {  	s3 =	simm.s32 @!p0 $0x1082;
	s9 =	sld [smem:$0x3FAF]  }
0x2f: {  	lr =	sadd.s32 s0, s3;
	s0 =	sld [smem:$0x3FA6]  }
0x30: {  	s3 =	sld [smem:$0x3FA9]  }
0x31: {  	[smem:$0x3FB2] =	sst s10  }
0x32: {  	s10 =	sld [smem:$0x3FB0];
	_ =	sdelay $0x3  }
0x33: {  	p0 =	seq.s32 s10, $0x1;
	s10 =	sld [smem:$0x3FB2];
	_ =	sdelay $0x3  }
0x34: {  	[smem:$0x3FB2] =	sst s10  }
0x35: {  	s10 =	sld [smem:$0x3FB1];
	_ =	sdelay $0x3  }
0x36: {  	p1 =	seq.s32 s10, $0x1;
	s10 =	sld [smem:$0x3FB2];
	_ =	sdelay $0x3  }
0x37: {  	[smem:$0x3FB2] =	sst s10  }
0x38: {  	s10 =	sld [smem:$0x3FB3]  }
0x39: {  	_ = 	snop;
	(pc) =	sbr.ind lr, $3  }
0x3a: {  	_ = 	snop  }
0x3b: {  	_ = 	snop  }
0x3c: {  	p2 =	seq.s32 s10, $0x1;
	s10 =	sld [smem:$0x3FB2]  }
0x3d: {  	_ =	shalt  }
0x3e: {  	_ =	shalt  }
0x3f: {  	_ =	shalt  }
0x40: {  	_ =	shalt  }
0x41: {  	_ =	shalt  }
0x42: {  	_ =	shalt  }
0x43: {  	_ =	shalt  }
0x44: {  	_ =	shalt  }
0x45: {  	_ =	shalt  }
0x46: {  	_ =	shalt  }
0x47: {  	_ =	shalt  }
0x48: {  	_ =	shalt  }
0x49: {  	_ =	shalt  }
0x4a: {  	_ =	shalt  }
0x4b: {  	_ =	shalt  }
0x4c: {  	_ =	shalt  }
0x4d: {  	_ =	shalt  }
0x4e: {  	_ =	shalt  }
0x4f: {  	_ =	shalt  }
0x50: {  	_ =	shalt  }
0x51: {  	_ =	shalt  }
0x52: {  	_ =	shalt  }
0x53: {  	_ =	shalt  }
0x54: {  	_ =	shalt  }
0x55: {  	_ =	shalt  }
0x56: {  	_ =	shalt  }
0x57: {  	_ =	shalt  }
0x58: {  	_ =	shalt  }
0x59: {  	_ =	shalt  }
0x5a: {  	_ =	shalt  }
0x5b: {  	_ =	shalt  }
0x5c: {  	_ =	shalt  }
0x5d: {  	_ =	shalt  }
0x5e: {  	_ =	shalt  }
0x5f: {  	_ =	shalt  }
0x60: {  	_ =	shalt  }
0x61: {  	_ =	shalt  }
0x62: {  	_ =	shalt  }
0x63: {  	_ =	shalt  }
0x64: {  	_ =	shalt  }
0x65: {  	_ =	shalt  }
0x66: {  	_ =	shalt  }
0x67: {  	_ =	shalt  }
0x68: {  	_ =	shalt  }
0x69: {  	_ =	shalt  }
0x6a: {  	_ =	shalt  }
0x6b: {  	_ =	shalt  }
0x6c: {  	_ =	shalt  }
0x6d: {  	_ =	shalt  }
0x6e: {  	_ =	shalt  }
0x6f: {  	_ =	shalt  }
0x70: {  	_ =	shalt  }
0x71: {  	_ =	shalt  }
0x72: {  	_ =	shalt  }
0x73: {  	_ =	shalt  }
0x74: {  	_ =	shalt  }
0x75: {  	_ =	shalt  }
0x76: {  	_ =	shalt  }
0x77: {  	_ =	shalt  }
0x78: {  	_ =	shalt  }
0x79: {  	_ =	shalt  }
0x7a: {  	_ =	shalt  }
0x7b: {  	_ =	shalt  }
0x7c: {  	_ =	shalt  }
0x7d: {  	_ =	shalt  }
0x7e: {  	_ =	shalt  }
0x7f: {  	_ =	shalt  }
0x80: {  	_ =	shalt  }
0x81: {  	_ =	shalt  }
0x82: {  	_ =	shalt  }
0x83: {  	_ =	shalt  }
0x84: {  	_ =	shalt  }
0x85: {  	_ =	shalt  }
0x86: {  	_ =	shalt  }
0x87: {  	_ =	shalt  }
.Lfunc_end0:
.L_simem_size_0:
called_computation_lowered:
.L_overlay_start_0:
0x88: {  	s2 =	sld [smem:$0x3FD9]  }
0x89: {  	s3 =	sld [smem:$0x3FFE];
	_ =	sdelay $0x1  }
0x8a: {  	s1 =	srdreg.scid  }
0x8b: {  	s0 =	sand.u32 $0x1, s1  }
0x8c: {  	s17 =	sshll.u32 s0, $0xA;
	s2 =	sadd.s32 s3, s2  }
0x8d: {  	s2 =	sadd.s32 s2, s17  }
0x8e: {  	[smem:$0x3FBE] =	sst s2  }
0x8f: {  	_ = 	snop  }
0x90: {  	s2 =	sld [smem:$0x3FD0];
	(tm) =	ssettm $0x1  }
0x91: {  	s18 =	sld [smem:$0x3FFB];
	_ =	sdelay $0x3  }
0x92: {  	_ =	strace s18  }
0x93: {  	s3 =	sld [smem:$0x3FFC];
	_ =	sdelay $0x3  }
0x94: {  	_ =	strace s3  }
0x95: {  	s3 =	sld [smem:$0x3FFD];
	_ =	sdelay $0x3  }
0x96: {  	_ =	strace s3  }
0x97: {  	_ =	strace $0x8FFFFFFF  }
0x98: {  	s19 =	sld [smem:$0x3FDB];
	_ =	sdelay $0x1  }
0x99: {  	s4 =	simm.s32 $_scs_section_size  }
0x9a: {  	s5 =	simm.s32 $_size__tile_overlayer_lowered;
	s6 =	simm.s32 $_tile_overlayer_lowered  }
0x9b: {  	s22 =	simm.s32 $0x1BFF;
	s21 =	sshll.u32 s6, $0x1;
	s3 =	sadd.s32 s4, s19  }
0x9c: {  	s7 =	simm.s32 $0x0;
	s20 =	sshll.u32 s5, $0x1;
	s5 =	sadd.s32 s21, s3  }
0x9d: {  	[timem:s7], [sflag:s22] =	dma.local [hbm:s5], s20  }
0x9e: {  	_ =	swait.ge [sflag:s22], s20  }
0x9f: {  	s4 =	ssub.s32 $0x0, s20;
	[sflag:s22] =	ssyncset.done $0x0  }
0xa0: {  	[sflag:s22] =	ssyncadd.s32 s4;
	_ =	sdelay $0x1  }
0xa1: {  	s23 =	simm.s32 $0x1B8B  }
0xa2: {  	_ =	swait.ge [sflag:s23], $0x1  }
0xa3: {  	[sflag:s23] =	ssyncset.done $0x0  }
0xa4: {  	s25 =	simm.s32 $0x1B8E;
	s24 =	sld [smem:$0x3FFE];
	[sflag:s23] =	ssyncadd.s32 $0xFFFFFFFF  }
0xa5: {  	s26 =	simm.s32 $execute0_lowered;
	[smem:$0x3FD2] =	sst s25  }
0xa6: {  	s5 =	sshll.u32 s26, $0x1;
	_ =	strace $0x80000046;
	[dreg:$0x1] =	wrdreg $0xFFFFFFFF  }
0xa7: {  	s28 =	simm.s32 $_size_execute0_lowered;
	s3 =	sadd.s32 s3, s5;
	[dreg:$0x0] =	wrdreg $0x0  }
0xa8: {  	s5 =	sshll.u32 s28, $0x1;
	[dreg:$0x2] =	wrdreg s3  }
0xa9: {  	[dreg:$0x3] =	wrdreg s5  }
0xaa: {  	[dreg:$0x4] =	wrdreg $0xC0  }
0xab: {  	_ =	task [dreg:s7], $0x5FFFF  }
0xac: {  	[dreg:$0x1] =	wrdreg $0xFFFFFFFF  }
0xad: {  	[dreg:$0x0] =	wrdreg $0x60  }
0xae: {  	[dreg:$0x2] =	wrdreg s2  }
0xaf: {  	[dreg:$0x3] =	wrdreg s24  }
0xb0: {  	[dreg:$0x4] =	wrdreg $0x9  }
0xb1: {  	_ =	task.clear_ibuf [dreg:s7], $0x5FFFF;
	_ =	strace $0x90000046  }
0xb2: {  	s29 =	simm.s32 $0x9;
	_ =	strace $0x80000048  }
0xb3: {  	_ =	swait.ge [sflag:s29], $0x1  }
0xb4: {  	[sflag:s29] =	ssyncadd.s32 $0xFFFFFFFF  }
0xb5: {  	_ =	strace $0x90000048  }
0xb6: {  	_ =	sfence  }
0xb7: {  	s30 =	sld [smem:$0x0];
	_ =	sdelay $0x2  }
0xb8: {  	s31 =	sshll.u32 s1, $0xD;
	s1 =	sshrl.u32 s1, $0x2  }
0xb9: {  	s3 =	sand.u32 $0x4000, s31;
	s1 =	sadd.s32 s1, s30  }
0xba: {  	s0 =	sor.u32 s3, s0;
	s1 =	sshll.u32 s1, $0x11  }
0xbb: {  	s0 =	sor.u32 s1, s0  }
0xbc: {  	s0 =	sadd.s32 $0x8F2B, s0  }
0xbd: {  	[sflag:s0] =	ssyncadd.remote.s32 $0x1  }
0xbe: {  	_ =	sfence.sel $0xFFFF  }
0xbf: {  	[dreg:$0x0] =	wrdreg $0xFFFFFFFF;
	(pc) =	sbr.abs _section_cstart, $3  }
0xc0: {  	[dreg:$0x1] =	wrdreg $0xFFFFFFFF  }
0xc1: {  	_ =	task.clear_ibuf [dreg:s7], $0x2FFFF;
	_ =	strace $0x9FFFFFFF  }
0xc2: {  	(tm) =	ssettm $0x7FFFFFFF  }
0xc3: {  	_ =	shalt  }
tec
execute0_lowered:
.L_overlay_start_1:
0x0: {  	(tag) =	ssettag $0x1  }
0x1: {  	s1 =	srdreg.scid;
	s0 =	stileid.u32  }
0x2: {  	s3 =	rddreg [dreg:$0x0];
	s4 =	sand.u32 $0x1, s1;
	s30 =	sshll.u32 s0, $0x1  }
0x3: {  	s5 =	rddreg [dreg:$0x1];
	s6 =	sor.u32 s4, s30  }
0x4: {  	s2 =	simm.s32 $0x0;
	s4 =	ssub.s32 $0x2, s4;
	s7 =	smul.u32 $0x2710, s6  }
0x5: {  	[smem:$0x7FF] =	sst s2;
	s6 =	smul.u32 $0x500, s6;
	s8 =	sshrl.u32 s4, $0x1  }
0x6: {  	s1 =	rddreg [dreg:$0x2];
	_ =	strace $0x80000047;
	s31 =	ssub.s32 s4, s8  }
0x7: {  	s8 =	simm.s32 $0x0;
	s7 =	sshrl.u32 s7, $0x3;
	s5 =	sadd.s32 s6, s5  }
0x8: {  	s6 =	simm.s32 $0x1;
	s3 =	sadd.s32 s3, s7;
	s4 =	sadd.s32 $0x1C00, s5  }
0x9: {  	v0 =	vimm.f32 $0.0e+00;
	v1 =	vimm.f32 $1.000000000e+00;
	s5 =	smax.u32 s31, $0x1;
	s7 =	simm.s32 $0x2780;
	s3 =	sadd.s32 $0x9C40, s3  }
.LBB2_1:
0xa: {  	[tilespmem:s2], [sflag:$0x1] =	stream.linear.gather [hbm4b:s3+s2], $0x2710, $0x38;
	[tilespmem:$0x4F80] =	vst v63  }
0xb: {  	_ =	swait.ge [sflag:s6], $0x2710  }
0xc: {  	[sflag:s6] =	ssyncset.done $0x0  }
0xd: {  	s10 =	simm.s32 $0x140;
	s9 =	simm.s32 $0x0;
	[sflag:s6] =	ssyncadd.s32 $0xFFFFD8F0  }
.LBB2_2:
0xe: {  	p0 =	sne.s32 s10, $0x9EC0;
	[tilespmem:s9+$0x27C0] =	vst v0;
	s11 =	smov.u32 s10;
	s10 =	sadd.s32 $0x140, s10  }
.Ltmp0:
0xf: {  	[tilespmem:s9+$0x27B0] =	vst v0;
	(pc) =	sbr.rel @p0 .LBB2_2-.Ltmp0, $4  }
0x10: {  	[tilespmem:s9+$0x27A0] =	vst v0  }
0x11: {  	[tilespmem:s9+$0x2780] =	vst v0  }
0x12: {  	[tilespmem:s9+$0x2790] =	vst v0  }
0x13: {  	s9 =	sshra.s32 s11, $0x2  }
0x14: {  	[tilespmem:s9+$0x27C0] =	vst v0  }
0x15: {  	[tilespmem:s9+$0x27B0] =	vst v0  }
0x16: {  	[tilespmem:s9+$0x27A0] =	vst v0  }
0x17: {  	[tilespmem:s9+$0x2780] =	vst v0  }
0x18: {  	[tilespmem:s9+$0x2790] =	vst v0;
	s9 =	simm.s32 $0x0  }
.LBB2_4:
0x19: {  	s10 =	sshra.s32 s9, $0x2  }
0x1a: {  	v2 =	vld [tilespmem:s10+$0x0];
	_ =	sdelay $0x7  }
0x1b: {  	[tilespmem:v2+s7+$0x0] =	vst.idx.msk $0xffff, v1  }
0x1c: {  	v2 =	vld [tilespmem:s10+$0x10];
	_ =	sdelay $0x7  }
0x1d: {  	[tilespmem:v2+s7+$0x0] =	vst.idx.msk $0xffff, v1  }
0x1e: {  	v2 =	vld [tilespmem:s10+$0x20];
	_ =	sdelay $0x7  }
0x1f: {  	[tilespmem:v2+s7+$0x0] =	vst.idx.msk $0xffff, v1  }
0x20: {  	v2 =	vld [tilespmem:s10+$0x30];
	_ =	sdelay $0x7  }
0x21: {  	[tilespmem:v2+s7+$0x0] =	vst.idx.msk $0xffff, v1  }
0x22: {  	v2 =	vld [tilespmem:s10+$0x40];
	_ =	sdelay $0x2  }
0x23: {  	p0 =	sne.s32 s9, $0x9B00  }
.Ltmp1:
0x24: {  	_ = 	snop;
	(pc) =	sbr.rel @p0 .LBB2_4-.Ltmp1, $2  }
0x25: {  	_ =	sdelay $0x2  }
0x26: {  	s9 =	sadd.s32 $0x140, s9;
	[tilespmem:v2+s7+$0x0] =	vst.idx.msk $0xffff, v1  }
0x27: {  	s8 =	sadd.s32 $0x1, s8  }
0x28: {  	p0 =	sne.s32 s8, s5  }
.Ltmp2:
0x29: {  	_ = 	snop;
	(pc) =	sbr.rel @p0 .LBB2_1-.Ltmp2, $4  }
0x2a: {  	[hbm4b:s4+s2] =	stream.linear.scatter [tilespmem:s7], [sflag:$0x1], $0x2800, $0x38;
	[tilespmem:$0x4F80] =	vst v63  }
0x2b: {  	_ =	swait.ge [sflag:s6], $0x2800  }
0x2c: {  	[sflag:s6] =	ssyncset.done $0x0  }
0x2d: {  	[sflag:s6] =	ssyncadd.s32 $0xFFFFD800  }
0x2e: {  	_ =	sfence.sel $0x180000  }
0x2f: {  	[bflag:$0x0] =	sbarrier.arrive $0xFFFF  }
0x30: {  	p0 =	sne.s32 s0, $0x0;
	_ =	strace $0x90000047  }
0x31: {  	s0 =	sadd.s32 @!p0 $0x100000, s1;
	[bflag:$0x2] =	sbarrier.arrive $0xFFFF  }
0x32: {  	[sflag:s0] =	ssyncadd.tile.s32 @!p0 $0x1;
	_ =	shalt  }
.Lfunc_end2:
_tile_overlayer_lowered:
.L_overlay_start_2:
0x33: {  	(tag) =	ssettag $0x2  }
0x34: {  	s0 =	rddreg [dreg:$0x0];
	s2 =	stileid.u32  }
0x35: {  	s1 =	rddreg [dreg:$0x1];
	p0 =	sne.s32 s2, $0x0  }
0x36: {  	s3 =	rddreg [dreg:$0x2];
	[bflag:$0x3] =	sbarrier.arrive $0xFFFF;
	s2 =	simm.s32 @!p0 $0x1C01  }
0x37: {  	[timem:s3], [sflag:s2] =	dma.local @!p0 [hbm:s0], s1  }
0x38: {  	s0 =	simm.s32 @!p0 $0x1  }
0x39: {  	_ =	swait.ge @!p0 [sflag:s0], s1  }
0x3a: {  	s1 =	ssub.s32 @!p0 $0x0, s1;
	[sflag:s0] =	ssyncset.done @!p0 $0x0  }
0x3b: {  	[sflag:s0] =	ssyncadd.s32 @!p0 s1  }
0x3c: {  	[bflag:$0x3] =	sbarrier.arrive $0xFFFF  }
0x3d: {  	_ =	shalt  }

</sc_bundles>
